<compile_context>
chip_gen: v7x
topology: tpu7x:2x2x1
jax: 0.10.2.dev20260603
libtpu: 0.0.44.dev20260713+nightly
codegen_flags: <defaults>
</compile_context>

<pallas_src>
import functools

import jax
import jax.numpy as jnp
from jax import lax
from jax.experimental import pallas as pl
from jax.experimental.pallas import tpu as pltpu
from jax.experimental.pallas import tpu_sc as plsc

NUM_TIMESTEPS = 1000
BATCH_SIZE = 4096

_info = plsc.get_sparse_core_info()
_L = _info.num_lanes
_NW = _info.num_subcores
_BPW = BATCH_SIZE // _NW

_mesh = plsc.VectorSubcoreMesh(
    core_axis_name="c", subcore_axis_name="s", num_cores=1)


@functools.partial(
    pl.kernel,
    mesh=_mesh,
    out_type=(
        jax.ShapeDtypeStruct((BATCH_SIZE,), jnp.float32),
        jax.ShapeDtypeStruct((BATCH_SIZE,), jnp.float32),
    ),
    scratch_types=[
        pltpu.VMEM((_BPW,), jnp.int32),
        pltpu.VMEM((NUM_TIMESTEPS,), jnp.float32),
        pltpu.VMEM((NUM_TIMESTEPS,), jnp.float32),
        pltpu.VMEM((_BPW,), jnp.float32),
        pltpu.VMEM((_BPW,), jnp.float32),
        pltpu.SemaphoreType.DMA,
        pltpu.SemaphoreType.DMA,
        pltpu.SemaphoreType.DMA,
    ],
    compiler_params=pltpu.CompilerParams(needs_layout_passes=False),
)
def _ddpm_gather(t_hbm, beta_hbm, alpha_hbm, beta_out, alpha_out,
                 t_v, beta_v, alpha_v, bout_v, aout_v, sem_t, sem_b, sem_a):
    base = lax.axis_index("s") * _BPW
    ld_t = pltpu.async_copy(t_hbm.at[pl.ds(base, _BPW)], t_v, sem_t)
    ld_b = pltpu.async_copy(beta_hbm, beta_v, sem_b)
    ld_a = pltpu.async_copy(alpha_hbm, alpha_v, sem_a)
    ld_t.wait()
    ld_b.wait()
    idxs = []
    for i in range(_BPW // _L):
        idx = t_v[pl.ds(i * _L, _L)]
        idxs.append(idx)
        bout_v[pl.ds(i * _L, _L)] = plsc.load_gather(beta_v, [idx])
    st_b = pltpu.async_copy(bout_v, beta_out.at[pl.ds(base, _BPW)], sem_b)
    ld_a.wait()
    half = _BPW // (2 * _L)
    for i in range(half):
        aout_v[pl.ds(i * _L, _L)] = plsc.load_gather(alpha_v, [idxs[i]])
    st_a0 = pltpu.async_copy(
        aout_v.at[pl.ds(0, _BPW // 2)],
        alpha_out.at[pl.ds(base, _BPW // 2)], sem_a)
    for i in range(half, _BPW // _L):
        aout_v[pl.ds(i * _L, _L)] = plsc.load_gather(alpha_v, [idxs[i]])
    st_a1 = pltpu.async_copy(
        aout_v.at[pl.ds(_BPW // 2, _BPW // 2)],
        alpha_out.at[pl.ds(base + _BPW // 2, _BPW // 2)], sem_a)
    st_b.wait()
    st_a0.wait()
    st_a1.wait()


def kernel(t, beta, alpha):
    return _ddpm_gather(t.astype(jnp.int32), beta, alpha)

# --- scband reference (transcript-rebuilt; emitter-appended) ---
"""Pipeline reference for scband-ddpm-scheduler-88218628259910 (READ-ONLY COPY).

The authoritative reference and input builder live on the scoring server;
editing this copy changes nothing except your own understanding.
"""

import jax, jax.numpy as jnp
import numpy as np

NUM_TIME_STEPS = 1000
BATCH = 4096

def setup_inputs(seed: int = 0) -> dict:
    key = jax.random.key(seed)
    t = jax.random.randint(key, (BATCH,), 0, NUM_TIME_STEPS)
    beta = jnp.linspace(0.0001, 0.02, NUM_TIME_STEPS, dtype=jnp.float32)
    alpha = jnp.cumprod(1.0 - beta, axis=0)
    return {"t": t, "beta": beta, "alpha": alpha}

def reference(t, beta, alpha):
    # Faithful translation of DDPM_Scheduler.forward: gather beta[t], alpha[t]
    beta_t = jnp.take(beta, t, axis=0)
    alpha_t = jnp.take(alpha, t, axis=0)
    return (beta_t, alpha_t)

if __name__ == "__main__":
    import jax
    _d = setup_inputs()
    print(jax.jit(kernel)(*tuple(_d.values())))

</pallas_src>

<mosaic_0001>
#map = affine_map<(d0, d1) -> (0)>
module attributes {stable_mosaic.version = 14 : i64} {
  func.func @_ddpm_gather(%arg0: i32, %arg1: i32, %arg2: memref<4096xi32, #tpu.memory_space<hbm>>, %arg3: memref<1000xf32, #tpu.memory_space<hbm>>, %arg4: memref<1000xf32, #tpu.memory_space<hbm>>, %arg5: memref<4096xf32, #tpu.memory_space<hbm>>, %arg6: memref<4096xf32, #tpu.memory_space<hbm>>, %arg7: memref<256xi32, #tpu.memory_space<vmem>>, %arg8: memref<1000xf32, #tpu.memory_space<vmem>>, %arg9: memref<1000xf32, #tpu.memory_space<vmem>>, %arg10: memref<256xf32, #tpu.memory_space<vmem>>, %arg11: memref<256xf32, #tpu.memory_space<vmem>>, %arg12: memref<!tpu.dma_semaphore, #tpu.memory_space<semaphore_mem>>, %arg13: memref<!tpu.dma_semaphore, #tpu.memory_space<semaphore_mem>>, %arg14: memref<!tpu.dma_semaphore, #tpu.memory_space<semaphore_mem>>) attributes {dimension_semantics = [#tpu.dimension_semantics<core_parallel>, #tpu.dimension_semantics<subcore_parallel>], iteration_bounds = array<i64: 1, 16>, scalar_prefetch = 0 : i64, scratch_operands = 8 : i64, tpu.core_type = #tpu.core_type<sc_vector_subcore>, window_params = [{transform_indices = #map}, {transform_indices = #map}, {transform_indices = #map}, {transform_indices = #map}, {transform_indices = #map}]} {
    %mul3A = arith.constant 256 : i32
    %mul3A_0 = arith.muli %arg1, %mul3A : i32
    %dma_start3A = tpu.memref_slice %arg2[%mul3A_0] : memref<4096xi32, #tpu.memory_space<hbm>> -> memref<256xi32, #tpu.memory_space<hbm>>
    %dma_start3A_1 = tpu.memref_slice %arg2[%mul3A_0] : memref<4096xi32, #tpu.memory_space<hbm>> -> memref<256xi32, #tpu.memory_space<hbm>>
    tpu.enqueue_dma source(%dma_start3A_1 : memref<256xi32, #tpu.memory_space<hbm>>) target(%arg7 : memref<256xi32, #tpu.memory_space<vmem>>) target_semaphore(%arg12 : memref<!tpu.dma_semaphore, #tpu.memory_space<semaphore_mem>>)
    tpu.enqueue_dma source(%arg3 : memref<1000xf32, #tpu.memory_space<hbm>>) target(%arg8 : memref<1000xf32, #tpu.memory_space<vmem>>) target_semaphore(%arg13 : memref<!tpu.dma_semaphore, #tpu.memory_space<semaphore_mem>>)
    tpu.enqueue_dma source(%arg4 : memref<1000xf32, #tpu.memory_space<hbm>>) target(%arg9 : memref<1000xf32, #tpu.memory_space<vmem>>) target_semaphore(%arg14 : memref<!tpu.dma_semaphore, #tpu.memory_space<semaphore_mem>>)
    %dma_wait3A = tpu.memref_slice %arg2[%mul3A_0] : memref<4096xi32, #tpu.memory_space<hbm>> -> memref<256xi32, #tpu.memory_space<hbm>>
    %dma_wait3A_2 = tpu.memref_slice %arg2[%mul3A_0] : memref<4096xi32, #tpu.memory_space<hbm>> -> memref<256xi32, #tpu.memory_space<hbm>>
    tpu.wait_dma2 semaphore(%arg12 : memref<!tpu.dma_semaphore, #tpu.memory_space<semaphore_mem>>) src(%dma_wait3A_2 : memref<256xi32, #tpu.memory_space<hbm>>) dst(%arg7 : memref<256xi32, #tpu.memory_space<vmem>>)
    tpu.wait_dma2 semaphore(%arg13 : memref<!tpu.dma_semaphore, #tpu.memory_space<semaphore_mem>>) src(%arg3 : memref<1000xf32, #tpu.memory_space<hbm>>) dst(%arg8 : memref<1000xf32, #tpu.memory_space<vmem>>)
    %get3A = arith.constant 0 : index
    %get3A_3 = tpu.vector_load %arg7[%get3A] {strides = array<i32>} : memref<256xi32, #tpu.memory_space<vmem>>, vector<16xi32>,
    %gather3A = tpu.vector_load_idx %arg8[%get3A_3] : memref<1000xf32, #tpu.memory_space<vmem>>[vector<16xi32>], vector<16xf32>,
    %swap3A = arith.constant 0 : index
    %swap3A_4 = tpu.vector_load %arg10[%swap3A] {strides = array<i32>} : memref<256xf32, #tpu.memory_space<vmem>>, vector<16xf32>,
    tpu.vector_store %arg10[%swap3A], %gather3A {strides = array<i32>} : memref<256xf32, #tpu.memory_space<vmem>>, vector<16xf32>,
    %get3A_5 = arith.constant 16 : index
    %get3A_6 = tpu.vector_load %arg7[%get3A_5] {strides = array<i32>} : memref<256xi32, #tpu.memory_space<vmem>>, vector<16xi32>,
    %gather3A_7 = tpu.vector_load_idx %arg8[%get3A_6] : memref<1000xf32, #tpu.memory_space<vmem>>[vector<16xi32>], vector<16xf32>,
    %swap3A_8 = arith.constant 16 : index
    %swap3A_9 = tpu.vector_load %arg10[%swap3A_8] {strides = array<i32>} : memref<256xf32, #tpu.memory_space<vmem>>, vector<16xf32>,
    tpu.vector_store %arg10[%swap3A_8], %gather3A_7 {strides = array<i32>} : memref<256xf32, #tpu.memory_space<vmem>>, vector<16xf32>,
    %get3A_10 = arith.constant 32 : index
    %get3A_11 = tpu.vector_load %arg7[%get3A_10] {strides = array<i32>} : memref<256xi32, #tpu.memory_space<vmem>>, vector<16xi32>,
    %gather3A_12 = tpu.vector_load_idx %arg8[%get3A_11] : memref<1000xf32, #tpu.memory_space<vmem>>[vector<16xi32>], vector<16xf32>,
    %swap3A_13 = arith.constant 32 : index
    %swap3A_14 = tpu.vector_load %arg10[%swap3A_13] {strides = array<i32>} : memref<256xf32, #tpu.memory_space<vmem>>, vector<16xf32>,
    tpu.vector_store %arg10[%swap3A_13], %gather3A_12 {strides = array<i32>} : memref<256xf32, #tpu.memory_space<vmem>>, vector<16xf32>,
    %get3A_15 = arith.constant 48 : index
    %get3A_16 = tpu.vector_load %arg7[%get3A_15] {strides = array<i32>} : memref<256xi32, #tpu.memory_space<vmem>>, vector<16xi32>,
    %gather3A_17 = tpu.vector_load_idx %arg8[%get3A_16] : memref<1000xf32, #tpu.memory_space<vmem>>[vector<16xi32>], vector<16xf32>,
    %swap3A_18 = arith.constant 48 : index
    %swap3A_19 = tpu.vector_load %arg10[%swap3A_18] {strides = array<i32>} : memref<256xf32, #tpu.memory_space<vmem>>, vector<16xf32>,
    tpu.vector_store %arg10[%swap3A_18], %gather3A_17 {strides = array<i32>} : memref<256xf32, #tpu.memory_space<vmem>>, vector<16xf32>,
    %get3A_20 = arith.constant 64 : index
    %get3A_21 = tpu.vector_load %arg7[%get3A_20] {strides = array<i32>} : memref<256xi32, #tpu.memory_space<vmem>>, vector<16xi32>,
    %gather3A_22 = tpu.vector_load_idx %arg8[%get3A_21] : memref<1000xf32, #tpu.memory_space<vmem>>[vector<16xi32>], vector<16xf32>,
    %swap3A_23 = arith.constant 64 : index
    %swap3A_24 = tpu.vector_load %arg10[%swap3A_23] {strides = array<i32>} : memref<256xf32, #tpu.memory_space<vmem>>, vector<16xf32>,
    tpu.vector_store %arg10[%swap3A_23], %gather3A_22 {strides = array<i32>} : memref<256xf32, #tpu.memory_space<vmem>>, vector<16xf32>,
    %get3A_25 = arith.constant 80 : index
    %get3A_26 = tpu.vector_load %arg7[%get3A_25] {strides = array<i32>} : memref<256xi32, #tpu.memory_space<vmem>>, vector<16xi32>,
    %gather3A_27 = tpu.vector_load_idx %arg8[%get3A_26] : memref<1000xf32, #tpu.memory_space<vmem>>[vector<16xi32>], vector<16xf32>,
    %swap3A_28 = arith.constant 80 : index
    %swap3A_29 = tpu.vector_load %arg10[%swap3A_28] {strides = array<i32>} : memref<256xf32, #tpu.memory_space<vmem>>, vector<16xf32>,
    tpu.vector_store %arg10[%swap3A_28], %gather3A_27 {strides = array<i32>} : memref<256xf32, #tpu.memory_space<vmem>>, vector<16xf32>,
    %get3A_30 = arith.constant 96 : index
    %get3A_31 = tpu.vector_load %arg7[%get3A_30] {strides = array<i32>} : memref<256xi32, #tpu.memory_space<vmem>>, vector<16xi32>,
    %gather3A_32 = tpu.vector_load_idx %arg8[%get3A_31] : memref<1000xf32, #tpu.memory_space<vmem>>[vector<16xi32>], vector<16xf32>,
    %swap3A_33 = arith.constant 96 : index
    %swap3A_34 = tpu.vector_load %arg10[%swap3A_33] {strides = array<i32>} : memref<256xf32, #tpu.memory_space<vmem>>, vector<16xf32>,
    tpu.vector_store %arg10[%swap3A_33], %gather3A_32 {strides = array<i32>} : memref<256xf32, #tpu.memory_space<vmem>>, vector<16xf32>,
    %get3A_35 = arith.constant 112 : index
    %get3A_36 = tpu.vector_load %arg7[%get3A_35] {strides = array<i32>} : memref<256xi32, #tpu.memory_space<vmem>>, vector<16xi32>,
    %gather3A_37 = tpu.vector_load_idx %arg8[%get3A_36] : memref<1000xf32, #tpu.memory_space<vmem>>[vector<16xi32>], vector<16xf32>,
    %swap3A_38 = arith.constant 112 : index
    %swap3A_39 = tpu.vector_load %arg10[%swap3A_38] {strides = array<i32>} : memref<256xf32, #tpu.memory_space<vmem>>, vector<16xf32>,
    tpu.vector_store %arg10[%swap3A_38], %gather3A_37 {strides = array<i32>} : memref<256xf32, #tpu.memory_space<vmem>>, vector<16xf32>,
    %get3A_40 = arith.constant 128 : index
    %get3A_41 = tpu.vector_load %arg7[%get3A_40] {strides = array<i32>} : memref<256xi32, #tpu.memory_space<vmem>>, vector<16xi32>,
    %gather3A_42 = tpu.vector_load_idx %arg8[%get3A_41] : memref<1000xf32, #tpu.memory_space<vmem>>[vector<16xi32>], vector<16xf32>,
    %swap3A_43 = arith.constant 128 : index
    %swap3A_44 = tpu.vector_load %arg10[%swap3A_43] {strides = array<i32>} : memref<256xf32, #tpu.memory_space<vmem>>, vector<16xf32>,
    tpu.vector_store %arg10[%swap3A_43], %gather3A_42 {strides = array<i32>} : memref<256xf32, #tpu.memory_space<vmem>>, vector<16xf32>,
    %get3A_45 = arith.constant 144 : index
    %get3A_46 = tpu.vector_load %arg7[%get3A_45] {strides = array<i32>} : memref<256xi32, #tpu.memory_space<vmem>>, vector<16xi32>,
    %gather3A_47 = tpu.vector_load_idx %arg8[%get3A_46] : memref<1000xf32, #tpu.memory_space<vmem>>[vector<16xi32>], vector<16xf32>,
    %swap3A_48 = arith.constant 144 : index
    %swap3A_49 = tpu.vector_load %arg10[%swap3A_48] {strides = array<i32>} : memref<256xf32, #tpu.memory_space<vmem>>, vector<16xf32>,
    tpu.vector_store %arg10[%swap3A_48], %gather3A_47 {strides = array<i32>} : memref<256xf32, #tpu.memory_space<vmem>>, vector<16xf32>,
    %get3A_50 = arith.constant 160 : index
    %get3A_51 = tpu.vector_load %arg7[%get3A_50] {strides = array<i32>} : memref<256xi32, #tpu.memory_space<vmem>>, vector<16xi32>,
    %gather3A_52 = tpu.vector_load_idx %arg8[%get3A_51] : memref<1000xf32, #tpu.memory_space<vmem>>[vector<16xi32>], vector<16xf32>,
    %swap3A_53 = arith.constant 160 : index
    %swap3A_54 = tpu.vector_load %arg10[%swap3A_53] {strides = array<i32>} : memref<256xf32, #tpu.memory_space<vmem>>, vector<16xf32>,
    tpu.vector_store %arg10[%swap3A_53], %gather3A_52 {strides = array<i32>} : memref<256xf32, #tpu.memory_space<vmem>>, vector<16xf32>,
    %get3A_55 = arith.constant 176 : index
    %get3A_56 = tpu.vector_load %arg7[%get3A_55] {strides = array<i32>} : memref<256xi32, #tpu.memory_space<vmem>>, vector<16xi32>,
    %gather3A_57 = tpu.vector_load_idx %arg8[%get3A_56] : memref<1000xf32, #tpu.memory_space<vmem>>[vector<16xi32>], vector<16xf32>,
    %swap3A_58 = arith.constant 176 : index
    %swap3A_59 = tpu.vector_load %arg10[%swap3A_58] {strides = array<i32>} : memref<256xf32, #tpu.memory_space<vmem>>, vector<16xf32>,
    tpu.vector_store %arg10[%swap3A_58], %gather3A_57 {strides = array<i32>} : memref<256xf32, #tpu.memory_space<vmem>>, vector<16xf32>,
    %get3A_60 = arith.constant 192 : index
    %get3A_61 = tpu.vector_load %arg7[%get3A_60] {strides = array<i32>} : memref<256xi32, #tpu.memory_space<vmem>>, vector<16xi32>,
    %gather3A_62 = tpu.vector_load_idx %arg8[%get3A_61] : memref<1000xf32, #tpu.memory_space<vmem>>[vector<16xi32>], vector<16xf32>,
    %swap3A_63 = arith.constant 192 : index
    %swap3A_64 = tpu.vector_load %arg10[%swap3A_63] {strides = array<i32>} : memref<256xf32, #tpu.memory_space<vmem>>, vector<16xf32>,
    tpu.vector_store %arg10[%swap3A_63], %gather3A_62 {strides = array<i32>} : memref<256xf32, #tpu.memory_space<vmem>>, vector<16xf32>,
    %get3A_65 = arith.constant 208 : index
    %get3A_66 = tpu.vector_load %arg7[%get3A_65] {strides = array<i32>} : memref<256xi32, #tpu.memory_space<vmem>>, vector<16xi32>,
    %gather3A_67 = tpu.vector_load_idx %arg8[%get3A_66] : memref<1000xf32, #tpu.memory_space<vmem>>[vector<16xi32>], vector<16xf32>,
    %swap3A_68 = arith.constant 208 : index
    %swap3A_69 = tpu.vector_load %arg10[%swap3A_68] {strides = array<i32>} : memref<256xf32, #tpu.memory_space<vmem>>, vector<16xf32>,
    tpu.vector_store %arg10[%swap3A_68], %gather3A_67 {strides = array<i32>} : memref<256xf32, #tpu.memory_space<vmem>>, vector<16xf32>,
    %get3A_70 = arith.constant 224 : index
    %get3A_71 = tpu.vector_load %arg7[%get3A_70] {strides = array<i32>} : memref<256xi32, #tpu.memory_space<vmem>>, vector<16xi32>,
    %gather3A_72 = tpu.vector_load_idx %arg8[%get3A_71] : memref<1000xf32, #tpu.memory_space<vmem>>[vector<16xi32>], vector<16xf32>,
    %swap3A_73 = arith.constant 224 : index
    %swap3A_74 = tpu.vector_load %arg10[%swap3A_73] {strides = array<i32>} : memref<256xf32, #tpu.memory_space<vmem>>, vector<16xf32>,
    tpu.vector_store %arg10[%swap3A_73], %gather3A_72 {strides = array<i32>} : memref<256xf32, #tpu.memory_space<vmem>>, vector<16xf32>,
    %get3A_75 = arith.constant 240 : index
    %get3A_76 = tpu.vector_load %arg7[%get3A_75] {strides = array<i32>} : memref<256xi32, #tpu.memory_space<vmem>>, vector<16xi32>,
    %gather3A_77 = tpu.vector_load_idx %arg8[%get3A_76] : memref<1000xf32, #tpu.memory_space<vmem>>[vector<16xi32>], vector<16xf32>,
    %swap3A_78 = arith.constant 240 : index
    %swap3A_79 = tpu.vector_load %arg10[%swap3A_78] {strides = array<i32>} : memref<256xf32, #tpu.memory_space<vmem>>, vector<16xf32>,
    tpu.vector_store %arg10[%swap3A_78], %gather3A_77 {strides = array<i32>} : memref<256xf32, #tpu.memory_space<vmem>>, vector<16xf32>,
    %dma_start3A_80 = tpu.memref_slice %arg5[%mul3A_0] : memref<4096xf32, #tpu.memory_space<hbm>> -> memref<256xf32, #tpu.memory_space<hbm>>
    %dma_start3A_81 = tpu.memref_slice %arg5[%mul3A_0] : memref<4096xf32, #tpu.memory_space<hbm>> -> memref<256xf32, #tpu.memory_space<hbm>>
    tpu.enqueue_dma source(%arg10 : memref<256xf32, #tpu.memory_space<vmem>>) target(%dma_start3A_81 : memref<256xf32, #tpu.memory_space<hbm>>) target_semaphore(%arg13 : memref<!tpu.dma_semaphore, #tpu.memory_space<semaphore_mem>>)
    tpu.wait_dma2 semaphore(%arg14 : memref<!tpu.dma_semaphore, #tpu.memory_space<semaphore_mem>>) src(%arg4 : memref<1000xf32, #tpu.memory_space<hbm>>) dst(%arg9 : memref<1000xf32, #tpu.memory_space<vmem>>)
    %gather3A_82 = tpu.vector_load_idx %arg9[%get3A_3] : memref<1000xf32, #tpu.memory_space<vmem>>[vector<16xi32>], vector<16xf32>,
    %swap3A_83 = arith.constant 0 : index
    %swap3A_84 = tpu.vector_load %arg11[%swap3A_83] {strides = array<i32>} : memref<256xf32, #tpu.memory_space<vmem>>, vector<16xf32>,
    tpu.vector_store %arg11[%swap3A_83], %gather3A_82 {strides = array<i32>} : memref<256xf32, #tpu.memory_space<vmem>>, vector<16xf32>,
    %gather3A_85 = tpu.vector_load_idx %arg9[%get3A_6] : memref<1000xf32, #tpu.memory_space<vmem>>[vector<16xi32>], vector<16xf32>,
    %swap3A_86 = arith.constant 16 : index
    %swap3A_87 = tpu.vector_load %arg11[%swap3A_86] {strides = array<i32>} : memref<256xf32, #tpu.memory_space<vmem>>, vector<16xf32>,
    tpu.vector_store %arg11[%swap3A_86], %gather3A_85 {strides = array<i32>} : memref<256xf32, #tpu.memory_space<vmem>>, vector<16xf32>,
    %gather3A_88 = tpu.vector_load_idx %arg9[%get3A_11] : memref<1000xf32, #tpu.memory_space<vmem>>[vector<16xi32>], vector<16xf32>,
    %swap3A_89 = arith.constant 32 : index
    %swap3A_90 = tpu.vector_load %arg11[%swap3A_89] {strides = array<i32>} : memref<256xf32, #tpu.memory_space<vmem>>, vector<16xf32>,
    tpu.vector_store %arg11[%swap3A_89], %gather3A_88 {strides = array<i32>} : memref<256xf32, #tpu.memory_space<vmem>>, vector<16xf32>,
    %gather3A_91 = tpu.vector_load_idx %arg9[%get3A_16] : memref<1000xf32, #tpu.memory_space<vmem>>[vector<16xi32>], vector<16xf32>,
    %swap3A_92 = arith.constant 48 : index
    %swap3A_93 = tpu.vector_load %arg11[%swap3A_92] {strides = array<i32>} : memref<256xf32, #tpu.memory_space<vmem>>, vector<16xf32>,
    tpu.vector_store %arg11[%swap3A_92], %gather3A_91 {strides = array<i32>} : memref<256xf32, #tpu.memory_space<vmem>>, vector<16xf32>,
    %gather3A_94 = tpu.vector_load_idx %arg9[%get3A_21] : memref<1000xf32, #tpu.memory_space<vmem>>[vector<16xi32>], vector<16xf32>,
    %swap3A_95 = arith.constant 64 : index
    %swap3A_96 = tpu.vector_load %arg11[%swap3A_95] {strides = array<i32>} : memref<256xf32, #tpu.memory_space<vmem>>, vector<16xf32>,
    tpu.vector_store %arg11[%swap3A_95], %gather3A_94 {strides = array<i32>} : memref<256xf32, #tpu.memory_space<vmem>>, vector<16xf32>,
    %gather3A_97 = tpu.vector_load_idx %arg9[%get3A_26] : memref<1000xf32, #tpu.memory_space<vmem>>[vector<16xi32>], vector<16xf32>,
    %swap3A_98 = arith.constant 80 : index
    %swap3A_99 = tpu.vector_load %arg11[%swap3A_98] {strides = array<i32>} : memref<256xf32, #tpu.memory_space<vmem>>, vector<16xf32>,
    tpu.vector_store %arg11[%swap3A_98], %gather3A_97 {strides = array<i32>} : memref<256xf32, #tpu.memory_space<vmem>>, vector<16xf32>,
    %gather3A_100 = tpu.vector_load_idx %arg9[%get3A_31] : memref<1000xf32, #tpu.memory_space<vmem>>[vector<16xi32>], vector<16xf32>,
    %swap3A_101 = arith.constant 96 : index
    %swap3A_102 = tpu.vector_load %arg11[%swap3A_101] {strides = array<i32>} : memref<256xf32, #tpu.memory_space<vmem>>, vector<16xf32>,
    tpu.vector_store %arg11[%swap3A_101], %gather3A_100 {strides = array<i32>} : memref<256xf32, #tpu.memory_space<vmem>>, vector<16xf32>,
    %gather3A_103 = tpu.vector_load_idx %arg9[%get3A_36] : memref<1000xf32, #tpu.memory_space<vmem>>[vector<16xi32>], vector<16xf32>,
    %swap3A_104 = arith.constant 112 : index
    %swap3A_105 = tpu.vector_load %arg11[%swap3A_104] {strides = array<i32>} : memref<256xf32, #tpu.memory_space<vmem>>, vector<16xf32>,
    tpu.vector_store %arg11[%swap3A_104], %gather3A_103 {strides = array<i32>} : memref<256xf32, #tpu.memory_space<vmem>>, vector<16xf32>,
    %dma_start3A_106 = arith.constant 0 : i32
    %dma_start3A_107 = tpu.memref_slice %arg11[%dma_start3A_106] : memref<256xf32, #tpu.memory_space<vmem>> -> memref<128xf32, #tpu.memory_space<vmem>>
    %dma_start3A_108 = tpu.memref_slice %arg6[%mul3A_0] : memref<4096xf32, #tpu.memory_space<hbm>> -> memref<128xf32, #tpu.memory_space<hbm>>
    %dma_start3A_109 = tpu.memref_slice %arg6[%mul3A_0] : memref<4096xf32, #tpu.memory_space<hbm>> -> memref<128xf32, #tpu.memory_space<hbm>>
    %dma_start3A_110 = arith.constant 0 : i32
    %dma_start3A_111 = tpu.memref_slice %arg11[%dma_start3A_110] : memref<256xf32, #tpu.memory_space<vmem>> -> memref<128xf32, #tpu.memory_space<vmem>>
    tpu.enqueue_dma source(%dma_start3A_111 : memref<128xf32, #tpu.memory_space<vmem>>) target(%dma_start3A_109 : memref<128xf32, #tpu.memory_space<hbm>>) target_semaphore(%arg14 : memref<!tpu.dma_semaphore, #tpu.memory_space<semaphore_mem>>)
    %gather3A_112 = tpu.vector_load_idx %arg9[%get3A_41] : memref<1000xf32, #tpu.memory_space<vmem>>[vector<16xi32>], vector<16xf32>,
    %swap3A_113 = arith.constant 128 : index
    %swap3A_114 = tpu.vector_load %arg11[%swap3A_113] {strides = array<i32>} : memref<256xf32, #tpu.memory_space<vmem>>, vector<16xf32>,
    tpu.vector_store %arg11[%swap3A_113], %gather3A_112 {strides = array<i32>} : memref<256xf32, #tpu.memory_space<vmem>>, vector<16xf32>,
    %gather3A_115 = tpu.vector_load_idx %arg9[%get3A_46] : memref<1000xf32, #tpu.memory_space<vmem>>[vector<16xi32>], vector<16xf32>,
    %swap3A_116 = arith.constant 144 : index
    %swap3A_117 = tpu.vector_load %arg11[%swap3A_116] {strides = array<i32>} : memref<256xf32, #tpu.memory_space<vmem>>, vector<16xf32>,
    tpu.vector_store %arg11[%swap3A_116], %gather3A_115 {strides = array<i32>} : memref<256xf32, #tpu.memory_space<vmem>>, vector<16xf32>,
    %gather3A_118 = tpu.vector_load_idx %arg9[%get3A_51] : memref<1000xf32, #tpu.memory_space<vmem>>[vector<16xi32>], vector<16xf32>,
    %swap3A_119 = arith.constant 160 : index
    %swap3A_120 = tpu.vector_load %arg11[%swap3A_119] {strides = array<i32>} : memref<256xf32, #tpu.memory_space<vmem>>, vector<16xf32>,
    tpu.vector_store %arg11[%swap3A_119], %gather3A_118 {strides = array<i32>} : memref<256xf32, #tpu.memory_space<vmem>>, vector<16xf32>,
    %gather3A_121 = tpu.vector_load_idx %arg9[%get3A_56] : memref<1000xf32, #tpu.memory_space<vmem>>[vector<16xi32>], vector<16xf32>,
    %swap3A_122 = arith.constant 176 : index
    %swap3A_123 = tpu.vector_load %arg11[%swap3A_122] {strides = array<i32>} : memref<256xf32, #tpu.memory_space<vmem>>, vector<16xf32>,
    tpu.vector_store %arg11[%swap3A_122], %gather3A_121 {strides = array<i32>} : memref<256xf32, #tpu.memory_space<vmem>>, vector<16xf32>,
    %gather3A_124 = tpu.vector_load_idx %arg9[%get3A_61] : memref<1000xf32, #tpu.memory_space<vmem>>[vector<16xi32>], vector<16xf32>,
    %swap3A_125 = arith.constant 192 : index
    %swap3A_126 = tpu.vector_load %arg11[%swap3A_125] {strides = array<i32>} : memref<256xf32, #tpu.memory_space<vmem>>, vector<16xf32>,
    tpu.vector_store %arg11[%swap3A_125], %gather3A_124 {strides = array<i32>} : memref<256xf32, #tpu.memory_space<vmem>>, vector<16xf32>,
    %gather3A_127 = tpu.vector_load_idx %arg9[%get3A_66] : memref<1000xf32, #tpu.memory_space<vmem>>[vector<16xi32>], vector<16xf32>,
    %swap3A_128 = arith.constant 208 : index
    %swap3A_129 = tpu.vector_load %arg11[%swap3A_128] {strides = array<i32>} : memref<256xf32, #tpu.memory_space<vmem>>, vector<16xf32>,
    tpu.vector_store %arg11[%swap3A_128], %gather3A_127 {strides = array<i32>} : memref<256xf32, #tpu.memory_space<vmem>>, vector<16xf32>,
    %gather3A_130 = tpu.vector_load_idx %arg9[%get3A_71] : memref<1000xf32, #tpu.memory_space<vmem>>[vector<16xi32>], vector<16xf32>,
    %swap3A_131 = arith.constant 224 : index
    %swap3A_132 = tpu.vector_load %arg11[%swap3A_131] {strides = array<i32>} : memref<256xf32, #tpu.memory_space<vmem>>, vector<16xf32>,
    tpu.vector_store %arg11[%swap3A_131], %gather3A_130 {strides = array<i32>} : memref<256xf32, #tpu.memory_space<vmem>>, vector<16xf32>,
    %gather3A_133 = tpu.vector_load_idx %arg9[%get3A_76] : memref<1000xf32, #tpu.memory_space<vmem>>[vector<16xi32>], vector<16xf32>,
    %swap3A_134 = arith.constant 240 : index
    %swap3A_135 = tpu.vector_load %arg11[%swap3A_134] {strides = array<i32>} : memref<256xf32, #tpu.memory_space<vmem>>, vector<16xf32>,
    tpu.vector_store %arg11[%swap3A_134], %gather3A_133 {strides = array<i32>} : memref<256xf32, #tpu.memory_space<vmem>>, vector<16xf32>,
    %add3A = arith.constant 128 : i32
    %add3A_136 = arith.addi %mul3A_0, %add3A : i32
    %dma_start3A_137 = arith.constant 128 : i32
    %dma_start3A_138 = tpu.memref_slice %arg11[%dma_start3A_137] : memref<256xf32, #tpu.memory_space<vmem>> -> memref<128xf32, #tpu.memory_space<vmem>>
    %dma_start3A_139 = tpu.memref_slice %arg6[%add3A_136] : memref<4096xf32, #tpu.memory_space<hbm>> -> memref<128xf32, #tpu.memory_space<hbm>>
    %dma_start3A_140 = tpu.memref_slice %arg6[%add3A_136] : memref<4096xf32, #tpu.memory_space<hbm>> -> memref<128xf32, #tpu.memory_space<hbm>>
    %dma_start3A_141 = arith.constant 128 : i32
    %dma_start3A_142 = tpu.memref_slice %arg11[%dma_start3A_141] : memref<256xf32, #tpu.memory_space<vmem>> -> memref<128xf32, #tpu.memory_space<vmem>>
    tpu.enqueue_dma source(%dma_start3A_142 : memref<128xf32, #tpu.memory_space<vmem>>) target(%dma_start3A_140 : memref<128xf32, #tpu.memory_space<hbm>>) target_semaphore(%arg14 : memref<!tpu.dma_semaphore, #tpu.memory_space<semaphore_mem>>)
    %dma_wait3A_143 = tpu.memref_slice %arg5[%mul3A_0] : memref<4096xf32, #tpu.memory_space<hbm>> -> memref<256xf32, #tpu.memory_space<hbm>>
    %dma_wait3A_144 = tpu.memref_slice %arg5[%mul3A_0] : memref<4096xf32, #tpu.memory_space<hbm>> -> memref<256xf32, #tpu.memory_space<hbm>>
    tpu.wait_dma2 semaphore(%arg13 : memref<!tpu.dma_semaphore, #tpu.memory_space<semaphore_mem>>) src(%arg10 : memref<256xf32, #tpu.memory_space<vmem>>) dst(%dma_wait3A_144 : memref<256xf32, #tpu.memory_space<hbm>>)
    %dma_wait3A_145 = arith.constant 0 : i32
    %dma_wait3A_146 = tpu.memref_slice %arg11[%dma_wait3A_145] : memref<256xf32, #tpu.memory_space<vmem>> -> memref<128xf32, #tpu.memory_space<vmem>>
    %dma_wait3A_147 = tpu.memref_slice %arg6[%mul3A_0] : memref<4096xf32, #tpu.memory_space<hbm>> -> memref<128xf32, #tpu.memory_space<hbm>>
    %dma_wait3A_148 = tpu.memref_slice %arg6[%mul3A_0] : memref<4096xf32, #tpu.memory_space<hbm>> -> memref<128xf32, #tpu.memory_space<hbm>>
    %dma_wait3A_149 = arith.constant 0 : i32
    %dma_wait3A_150 = tpu.memref_slice %arg11[%dma_wait3A_149] : memref<256xf32, #tpu.memory_space<vmem>> -> memref<128xf32, #tpu.memory_space<vmem>>
    tpu.wait_dma2 semaphore(%arg14 : memref<!tpu.dma_semaphore, #tpu.memory_space<semaphore_mem>>) src(%dma_wait3A_150 : memref<128xf32, #tpu.memory_space<vmem>>) dst(%dma_wait3A_148 : memref<128xf32, #tpu.memory_space<hbm>>)
    %dma_wait3A_151 = arith.constant 128 : i32
    %dma_wait3A_152 = tpu.memref_slice %arg11[%dma_wait3A_151] : memref<256xf32, #tpu.memory_space<vmem>> -> memref<128xf32, #tpu.memory_space<vmem>>
    %dma_wait3A_153 = tpu.memref_slice %arg6[%add3A_136] : memref<4096xf32, #tpu.memory_space<hbm>> -> memref<128xf32, #tpu.memory_space<hbm>>
    %dma_wait3A_154 = tpu.memref_slice %arg6[%add3A_136] : memref<4096xf32, #tpu.memory_space<hbm>> -> memref<128xf32, #tpu.memory_space<hbm>>
    %dma_wait3A_155 = arith.constant 128 : i32
    %dma_wait3A_156 = tpu.memref_slice %arg11[%dma_wait3A_155] : memref<256xf32, #tpu.memory_space<vmem>> -> memref<128xf32, #tpu.memory_space<vmem>>
    tpu.wait_dma2 semaphore(%arg14 : memref<!tpu.dma_semaphore, #tpu.memory_space<semaphore_mem>>) src(%dma_wait3A_156 : memref<128xf32, #tpu.memory_space<vmem>>) dst(%dma_wait3A_154 : memref<128xf32, #tpu.memory_space<hbm>>)
    return
  }
}

</mosaic_0001>

<sc_bundles>
// kernel: kernel.3.cloned.1.call-start
scs
__scs_entry_jumppad:
0x0: {  	(pc) =	sbr.rel $0x88, $3  }
0x1: {  	(tag) =	ssettag $0x0;
	lr =	simm.s32 $0x1  }
0x2: {  	[smem:$0x3F9E] =	sst lr;
	_ =	strace $0xD0000000  }
0x3: {  	_ = 	snop  }
0x4: {  	_ = 	snop  }
0x5: {  	_ = 	snop  }
0x6: {  	_ = 	snop  }
0x7: {  	_ = 	snop  }
__scs_overlays_trampoline_lowered:
0x8: {  	[smem:$0x3FAD] =	sst s0  }
0x9: {  	[smem:$0x3FAE] =	sst s1  }
0xa: {  	[smem:$0x3FAF] =	sst s2  }
0xb: {  	[smem:$0x3FB0] =	sst s3  }
0xc: {  	[smem:$0x3FB1] =	sst s4  }
0xd: {  	[smem:$0x3FB2] =	sst s5  }
0xe: {  	[smem:$0x3FB3] =	sst s6  }
0xf: {  	[smem:$0x3FB4] =	sst s7  }
0x10: {  	[smem:$0x3FB5] =	sst s8  }
0x11: {  	[smem:$0x3FB6] =	sst s9;
	s0 =	simm.s32 @!p0 $0x0  }
0x12: {  	s1 =	sld [smem:$0x3F9C];
	s0 =	simm.s32 @p0 $0x1  }
0x13: {  	[smem:$0x3FB7] =	sst s0;
	s0 =	simm.s32 @!p1 $0x0  }
0x14: {  	s2 =	sld [smem:$0x3F9B];
	s0 =	simm.s32 @p1 $0x1  }
0x15: {  	[smem:$0x3FB8] =	sst s0;
	s0 =	simm.s32 @!p2 $0x0  }
0x16: {  	s3 =	sld [smem:$0x3FDB];
	s0 =	simm.s32 @p2 $0x1  }
0x17: {  	s4 =	simm.s32 $0x1BF5;
	[smem:$0x3FBA] =	sst s0  }
0x18: {  	s0 =	sld [smem:$0x3F9D];
	_ =	swait.ge [sflag:s4], $0x0  }
0x19: {  	s7 =	sld [smem:$0x3F9E]  }
0x1a: {  	s8 =	sadd.s32 $0xFFFFE003, lr  }
0x1b: {  	s9 =	sadd.s32 $0xFFFFFEF7, lr;
	s5 =	simm.s32 $0xFFFFFFFF;
	p2 =	slt.u32 s8, $0xFFFFF086  }
0x1c: {  	p1 =	slt.u32 s9, $0xF7A;
	s5 =	simm.s32 @!p2 $0x0  }
0x1d: {  	s5 =	simm.s32 @p1 $0x1;
	p0 =	seq.s32 s7, s2  }
0x1e: {  	s7 =	smul.u32 @!p0 $0xF7A, s2;
	p2 =	seq.s32 @!p0 s5, $0x0  }
0x1f: {  	s9 =	smul.u32 $0xF7A, s1;
	s8 =	simm.s32 @!p0 $0x1BF5;
	p2 =	por !p2, p0  }
0x20: {  	[sflag:s8] =	ssyncset.s32 @!p0 $0xFFFFF086;
	s6 =	sadd.s32 @!p0 s3, s7;
	s7 =	simm.s32 @!p0 $0x108  }
0x21: {  	s3 =	sadd.s32 s3, s9;
	s6 =	sadd.s32 @!p0 $0x88, s6;
	s7 =	simm.s32 @p2 $0x1082  }
0x22: {  	[simem:s7], [sflag:s8] =	dma.local @!p0 [hbm:s6], $0xF7A  }
0x23: {  	s9 =	sor.u32 $0xD0000000, s2;
	s6 =	simm.s32 $0x108;
	_ =	swait.ge @!p0 [sflag:s8], $0x0  }
0x24: {  	s3 =	sadd.s32 $0x88, s3;
	s6 =	simm.s32 @!p1 $0x1082;
	[sflag:s4] =	ssyncset.s32 $0xFFFFF086  }
0x25: {  	[simem:s6], [sflag:s4] =	dma.local [hbm:s3], $0xF7A  }
0x26: {  	[smem:$0x3F9E] =	sst s1;
	(tag) =	ssettag s2;
	_ =	strace s9  }
0x27: {  	s1 =	sld [smem:$0x3FAE]  }
0x28: {  	s2 =	sld [smem:$0x3FAF]  }
0x29: {  	s4 =	sld [smem:$0x3FB1]  }
0x2a: {  	p0 =	seq.s32 s5, $0x0;
	s5 =	sld [smem:$0x3FB2]  }
0x2b: {  	s6 =	sld [smem:$0x3FB3]  }
0x2c: {  	s7 =	sld [smem:$0x3FB4]  }
0x2d: {  	s3 =	simm.s32 $0x108;
	s8 =	sld [smem:$0x3FB5]  }
0x2e: {  	s3 =	simm.s32 @!p0 $0x1082;
	s9 =	sld [smem:$0x3FB6]  }
0x2f: {  	lr =	sadd.s32 s0, s3;
	s0 =	sld [smem:$0x3FAD]  }
0x30: {  	s3 =	sld [smem:$0x3FB0]  }
0x31: {  	[smem:$0x3FB9] =	sst s10  }
0x32: {  	s10 =	sld [smem:$0x3FB7];
	_ =	sdelay $0x3  }
0x33: {  	p0 =	seq.s32 s10, $0x1;
	s10 =	sld [smem:$0x3FB9];
	_ =	sdelay $0x3  }
0x34: {  	[smem:$0x3FB9] =	sst s10  }
0x35: {  	s10 =	sld [smem:$0x3FB8];
	_ =	sdelay $0x3  }
0x36: {  	p1 =	seq.s32 s10, $0x1;
	s10 =	sld [smem:$0x3FB9];
	_ =	sdelay $0x3  }
0x37: {  	[smem:$0x3FB9] =	sst s10  }
0x38: {  	s10 =	sld [smem:$0x3FBA]  }
0x39: {  	_ = 	snop;
	(pc) =	sbr.ind lr, $3  }
0x3a: {  	_ = 	snop  }
0x3b: {  	_ = 	snop  }
0x3c: {  	p2 =	seq.s32 s10, $0x1;
	s10 =	sld [smem:$0x3FB9]  }
0x3d: {  	_ =	shalt  }
0x3e: {  	_ =	shalt  }
0x3f: {  	_ =	shalt  }
0x40: {  	_ =	shalt  }
0x41: {  	_ =	shalt  }
0x42: {  	_ =	shalt  }
0x43: {  	_ =	shalt  }
0x44: {  	_ =	shalt  }
0x45: {  	_ =	shalt  }
0x46: {  	_ =	shalt  }
0x47: {  	_ =	shalt  }
0x48: {  	_ =	shalt  }
0x49: {  	_ =	shalt  }
0x4a: {  	_ =	shalt  }
0x4b: {  	_ =	shalt  }
0x4c: {  	_ =	shalt  }
0x4d: {  	_ =	shalt  }
0x4e: {  	_ =	shalt  }
0x4f: {  	_ =	shalt  }
0x50: {  	_ =	shalt  }
0x51: {  	_ =	shalt  }
0x52: {  	_ =	shalt  }
0x53: {  	_ =	shalt  }
0x54: {  	_ =	shalt  }
0x55: {  	_ =	shalt  }
0x56: {  	_ =	shalt  }
0x57: {  	_ =	shalt  }
0x58: {  	_ =	shalt  }
0x59: {  	_ =	shalt  }
0x5a: {  	_ =	shalt  }
0x5b: {  	_ =	shalt  }
0x5c: {  	_ =	shalt  }
0x5d: {  	_ =	shalt  }
0x5e: {  	_ =	shalt  }
0x5f: {  	_ =	shalt  }
0x60: {  	_ =	shalt  }
0x61: {  	_ =	shalt  }
0x62: {  	_ =	shalt  }
0x63: {  	_ =	shalt  }
0x64: {  	_ =	shalt  }
0x65: {  	_ =	shalt  }
0x66: {  	_ =	shalt  }
0x67: {  	_ =	shalt  }
0x68: {  	_ =	shalt  }
0x69: {  	_ =	shalt  }
0x6a: {  	_ =	shalt  }
0x6b: {  	_ =	shalt  }
0x6c: {  	_ =	shalt  }
0x6d: {  	_ =	shalt  }
0x6e: {  	_ =	shalt  }
0x6f: {  	_ =	shalt  }
0x70: {  	_ =	shalt  }
0x71: {  	_ =	shalt  }
0x72: {  	_ =	shalt  }
0x73: {  	_ =	shalt  }
0x74: {  	_ =	shalt  }
0x75: {  	_ =	shalt  }
0x76: {  	_ =	shalt  }
0x77: {  	_ =	shalt  }
0x78: {  	_ =	shalt  }
0x79: {  	_ =	shalt  }
0x7a: {  	_ =	shalt  }
0x7b: {  	_ =	shalt  }
0x7c: {  	_ =	shalt  }
0x7d: {  	_ =	shalt  }
0x7e: {  	_ =	shalt  }
0x7f: {  	_ =	shalt  }
0x80: {  	_ =	shalt  }
0x81: {  	_ =	shalt  }
0x82: {  	_ =	shalt  }
0x83: {  	_ =	shalt  }
0x84: {  	_ =	shalt  }
0x85: {  	_ =	shalt  }
0x86: {  	_ =	shalt  }
0x87: {  	_ =	shalt  }
.Lfunc_end0:
.L_simem_size_0:
called_computation_lowered:
.L_overlay_start_0:
0x88: {  	s0 =	sld [smem:$0x3FD9]  }
0x89: {  	s1 =	sld [smem:$0x3FFE];
	_ =	sdelay $0x3  }
0x8a: {  	s0 =	sadd.s32 s1, s0  }
0x8b: {  	[smem:$0x3FC5] =	sst s0  }
0x8c: {  	_ = 	snop  }
0x8d: {  	s0 =	sld [smem:$0x3FD0]  }
0x8e: {  	s14 =	sld [smem:$0x3FC9]  }
0x8f: {  	s2 =	sld [smem:$0x3FC8]  }
0x90: {  	s4 =	simm.s32 $0xA;
	s5 =	simm.s32 $0x10;
	s3 =	sld [smem:$0x3FC7]  }
0x91: {  	[smem:s5], [sflag:s4] =	dma.local [hbm:s0], $0x1  }
0x92: {  	_ =	swait.eq [sflag:s4], $0x1  }
0x93: {  	[sflag:s4] =	ssyncset.done $0x0  }
0x94: {  	s15 =	sld [smem:$0x10];
	[sflag:s4] =	ssyncadd.s32 $0xFFFFFFFF  }
0x95: {  	s16 =	sld [smem:$0x11];
	(tm) =	ssettm $0x1  }
0x96: {  	s17 =	sld [smem:$0x3FFB];
	_ =	sdelay $0x3  }
0x97: {  	_ =	strace s17  }
0x98: {  	s5 =	sld [smem:$0x3FFC];
	_ =	sdelay $0x3  }
0x99: {  	_ =	strace s5  }
0x9a: {  	s5 =	sld [smem:$0x3FFD];
	_ =	sdelay $0x3  }
0x9b: {  	_ =	strace s5  }
0x9c: {  	_ =	strace $0x8FFFFFFF  }
0x9d: {  	s18 =	sld [smem:$0x3FDB];
	_ =	sdelay $0x1  }
0x9e: {  	s6 =	simm.s32 $_scs_section_size  }
0x9f: {  	s7 =	simm.s32 $_size__tile_overlayer_lowered;
	s8 =	simm.s32 $_tile_overlayer_lowered  }
0xa0: {  	s21 =	simm.s32 $0x1BFF;
	s20 =	sshll.u32 s8, $0x1;
	s5 =	sadd.s32 s6, s18  }
0xa1: {  	s9 =	simm.s32 $0x0;
	s19 =	sshll.u32 s7, $0x1;
	s7 =	sadd.s32 s20, s5  }
0xa2: {  	[timem:s9], [sflag:s21] =	dma.local [hbm:s7], s19  }
0xa3: {  	_ =	swait.ge [sflag:s21], s19  }
0xa4: {  	s6 =	ssub.s32 $0x0, s19;
	[sflag:s21] =	ssyncset.done $0x0  }
0xa5: {  	[sflag:s21] =	ssyncadd.s32 s6;
	_ =	sdelay $0x1  }
0xa6: {  	s22 =	simm.s32 $0x1B8B  }
0xa7: {  	_ =	swait.ge [sflag:s22], $0x1  }
0xa8: {  	[sflag:s22] =	ssyncset.done $0x0  }
0xa9: {  	s23 =	simm.s32 $0x1B8E;
	[sflag:s22] =	ssyncadd.s32 $0xFFFFFFFF  }
0xaa: {  	s24 =	simm.s32 $execute0_lowered;
	[smem:$0x3FD2] =	sst s23  }
0xab: {  	s6 =	sshll.u32 s24, $0x1;
	_ =	strace $0x80000046;
	[dreg:$0x1] =	wrdreg $0xFFFFFFFF  }
0xac: {  	s25 =	simm.s32 $_size_execute0_lowered;
	s5 =	sadd.s32 s5, s6;
	[dreg:$0x0] =	wrdreg $0x0  }
0xad: {  	s6 =	sshll.u32 s25, $0x1;
	[dreg:$0x2] =	wrdreg s5  }
0xae: {  	[dreg:$0x3] =	wrdreg s6  }
0xaf: {  	[dreg:$0x4] =	wrdreg $0xC0  }
0xb0: {  	_ =	task [dreg:s9], $0x5FFFF  }
0xb1: {  	[dreg:$0x1] =	wrdreg $0xFFFFFFFF  }
0xb2: {  	[dreg:$0x0] =	wrdreg $0x60  }
0xb3: {  	[dreg:$0x2] =	wrdreg s14  }
0xb4: {  	[dreg:$0x3] =	wrdreg s2  }
0xb5: {  	[dreg:$0x4] =	wrdreg s3  }
0xb6: {  	[dreg:$0x5] =	wrdreg s15  }
0xb7: {  	[dreg:$0x6] =	wrdreg s16  }
0xb8: {  	[dreg:$0x7] =	wrdreg $0x9  }
0xb9: {  	_ =	task.clear_ibuf [dreg:s9], $0x8FFFF;
	_ =	strace $0x90000046  }
0xba: {  	s26 =	simm.s32 $0x9;
	_ =	strace $0x80000048  }
0xbb: {  	_ =	swait.ge [sflag:s26], $0x1  }
0xbc: {  	[sflag:s26] =	ssyncadd.s32 $0xFFFFFFFF  }
0xbd: {  	_ =	strace $0x90000048  }
0xbe: {  	_ =	sfence  }
0xbf: {  	s28 =	sld [smem:$0x0];
	_ =	sdelay $0x1  }
0xc0: {  	s29 =	srdreg.scid  }
0xc1: {  	s30 =	sshll.u32 s29, $0xD;
	s31 =	sshrl.u32 s29, $0x2  }
0xc2: {  	s1 =	sand.u32 $0x1, s29;
	s2 =	sand.u32 $0x4000, s30;
	s0 =	sadd.s32 s31, s28  }
0xc3: {  	s1 =	sor.u32 s2, s1;
	s0 =	sshll.u32 s0, $0x11  }
0xc4: {  	s0 =	sor.u32 s0, s1  }
0xc5: {  	s0 =	sadd.s32 $0x8F2B, s0  }
0xc6: {  	[sflag:s0] =	ssyncadd.remote.s32 $0x1  }
0xc7: {  	_ =	sfence.sel $0xFFFF  }
0xc8: {  	[dreg:$0x0] =	wrdreg $0xFFFFFFFF;
	(pc) =	sbr.abs _section_cstart, $3  }
0xc9: {  	[dreg:$0x1] =	wrdreg $0xFFFFFFFF  }
0xca: {  	_ =	task.clear_ibuf [dreg:s9], $0x2FFFF;
	_ =	strace $0x9FFFFFFF  }
0xcb: {  	(tm) =	ssettm $0x7FFFFFFF  }
tec
execute0_lowered:
.L_overlay_start_1:
0x0: {  	(tag) =	ssettag $0x1  }
0x1: {  	s3 =	rddreg [dreg:$0x0]  }
0x2: {  	s4 =	rddreg [dreg:$0x1]  }
0x3: {  	s8 =	rddreg [dreg:$0x2]  }
0x4: {  	s7 =	rddreg [dreg:$0x3]  }
0x5: {  	s5 =	rddreg [dreg:$0x4];
	s2 =	simm.s32 $0x0;
	s1 =	stileid.u32  }
0x6: {  	[smem:$0x7FF] =	sst s2;
	s6 =	sshll.u32 s1, $0x5  }
0x7: {  	s0 =	rddreg [dreg:$0x5];
	_ =	strace $0x80000047;
	s3 =	sadd.s32 s3, s6  }
0x8: {  	[tilespmem:s2], [sflag:$0x1] =	stream.linear.gather [hbm4b:s3+s2], $0x100, $0x38;
	[tilespmem:$0xB00] =	vst v63  }
0x9: {  	s9 =	simm.s32 $0x100  }
0xa: {  	[tilespmem:s9], [sflag:$0x2] =	stream.linear.gather [hbm4b:s4+s2], $0x400, $0x38;
	[tilespmem:$0xB00] =	vst v63  }
0xb: {  	s23 =	simm.s32 $0x500;
	s24 =	simm.s32 $0x1  }
0xc: {  	[tilespmem:s23], [sflag:$0x3] =	stream.linear.gather [hbm4b:s8+s2], $0x400, $0x38;
	[tilespmem:$0xB00] =	vst v63  }
0xd: {  	_ =	swait.ge [sflag:s24], $0x100  }
0xe: {  	[sflag:s24] =	ssyncset.done $0x0  }
0xf: {  	s25 =	simm.s32 $0x2;
	[sflag:s24] =	ssyncadd.s32 $0xFFFFFF00  }
0x10: {  	_ =	swait.ge [sflag:s25], $0x400  }
0x11: {  	[sflag:s25] =	ssyncset.done $0x0  }
0x12: {  	[sflag:s25] =	ssyncadd.s32 $0xFFFFFC00  }
0x13: {  	v0 =	vld [tilespmem:$0x0];
	_ =	sdelay $0x5  }
0x14: {  	v1 =	vld [tilespmem:$0x10];
	_ =	sdelay $0x1  }
0x15: {  	v2 =	vld.idx.msk [tilespmem:v0+s9+$0x0], $0xffff;
	_ =	sdelay $0x3  }
0x16: {  	v3 =	vld [tilespmem:$0x20]  }
0x17: {  	[tilespmem:$0x900] =	vst v2  }
0x18: {  	v2 =	vld.idx.msk [tilespmem:v1+s9+$0x0], $0xffff;
	_ =	sdelay $0x3  }
0x19: {  	v4 =	vld [tilespmem:$0x30]  }
0x1a: {  	[tilespmem:$0x910] =	vst v2  }
0x1b: {  	v2 =	vld.idx.msk [tilespmem:v3+s9+$0x0], $0xffff;
	_ =	sdelay $0x3  }
0x1c: {  	v5 =	vld [tilespmem:$0x40]  }
0x1d: {  	[tilespmem:$0x920] =	vst v2  }
0x1e: {  	v2 =	vld.idx.msk [tilespmem:v4+s9+$0x0], $0xffff;
	_ =	sdelay $0x3  }
0x1f: {  	v6 =	vld [tilespmem:$0x50]  }
0x20: {  	[tilespmem:$0x930] =	vst v2  }
0x21: {  	v2 =	vld.idx.msk [tilespmem:v5+s9+$0x0], $0xffff;
	_ =	sdelay $0x3  }
0x22: {  	v7 =	vld [tilespmem:$0x60]  }
0x23: {  	[tilespmem:$0x940] =	vst v2  }
0x24: {  	v2 =	vld.idx.msk [tilespmem:v6+s9+$0x0], $0xffff;
	_ =	sdelay $0x3  }
0x25: {  	v8 =	vld [tilespmem:$0x70]  }
0x26: {  	[tilespmem:$0x950] =	vst v2  }
0x27: {  	v2 =	vld.idx.msk [tilespmem:v7+s9+$0x0], $0xffff;
	_ =	sdelay $0x3  }
0x28: {  	v9 =	vld [tilespmem:$0x80]  }
0x29: {  	[tilespmem:$0x960] =	vst v2  }
0x2a: {  	v2 =	vld.idx.msk [tilespmem:v8+s9+$0x0], $0xffff;
	_ =	sdelay $0x3  }
0x2b: {  	v10 =	vld [tilespmem:$0x90]  }
0x2c: {  	[tilespmem:$0x970] =	vst v2  }
0x2d: {  	v2 =	vld.idx.msk [tilespmem:v9+s9+$0x0], $0xffff;
	_ =	sdelay $0x3  }
0x2e: {  	v11 =	vld [tilespmem:$0xA0]  }
0x2f: {  	[tilespmem:$0x980] =	vst v2  }
0x30: {  	v2 =	vld.idx.msk [tilespmem:v10+s9+$0x0], $0xffff;
	_ =	sdelay $0x3  }
0x31: {  	v12 =	vld [tilespmem:$0xB0]  }
0x32: {  	[tilespmem:$0x990] =	vst v2  }
0x33: {  	v2 =	vld.idx.msk [tilespmem:v11+s9+$0x0], $0xffff;
	_ =	sdelay $0x3  }
0x34: {  	v13 =	vld [tilespmem:$0xC0]  }
0x35: {  	[tilespmem:$0x9A0] =	vst v2  }
0x36: {  	v2 =	vld.idx.msk [tilespmem:v12+s9+$0x0], $0xffff;
	_ =	sdelay $0x3  }
0x37: {  	v14 =	vld [tilespmem:$0xD0]  }
0x38: {  	[tilespmem:$0x9B0] =	vst v2  }
0x39: {  	v2 =	vld.idx.msk [tilespmem:v13+s9+$0x0], $0xffff;
	_ =	sdelay $0x3  }
0x3a: {  	v15 =	vld [tilespmem:$0xE0]  }
0x3b: {  	[tilespmem:$0x9C0] =	vst v2  }
0x3c: {  	v2 =	vld.idx.msk [tilespmem:v14+s9+$0x0], $0xffff;
	_ =	sdelay $0x3  }
0x3d: {  	v16 =	vld [tilespmem:$0xF0]  }
0x3e: {  	[tilespmem:$0x9D0] =	vst v2  }
0x3f: {  	v2 =	vld.idx.msk [tilespmem:v15+s9+$0x0], $0xffff;
	_ =	sdelay $0x4  }
0x40: {  	[tilespmem:$0x9E0] =	vst v2  }
0x41: {  	v2 =	vld.idx.msk [tilespmem:v16+s9+$0x0], $0xffff;
	_ =	sdelay $0x4  }
0x42: {  	s26 =	simm.s32 $0x900;
	s28 =	simm.s32 $0x3;
	s7 =	sadd.s32 s7, s6;
	[tilespmem:$0x9F0] =	vst v2  }
0x43: {  	[hbm4b:s7+s2] =	stream.linear.scatter [tilespmem:s26], [sflag:$0x2], $0x100, $0x38;
	[tilespmem:$0xB00] =	vst v63  }
0x44: {  	_ =	swait.ge [sflag:s28], $0x400  }
0x45: {  	[sflag:s28] =	ssyncset.done $0x0  }
0x46: {  	[sflag:s28] =	ssyncadd.s32 $0xFFFFFC00  }
0x47: {  	v0 =	vld.idx.msk [tilespmem:v0+s23+$0x0], $0xffff;
	_ =	sdelay $0x4  }
0x48: {  	[tilespmem:$0xA00] =	vst v0  }
0x49: {  	v0 =	vld.idx.msk [tilespmem:v1+s23+$0x0], $0xffff;
	_ =	sdelay $0x4  }
0x4a: {  	[tilespmem:$0xA10] =	vst v0  }
0x4b: {  	v0 =	vld.idx.msk [tilespmem:v3+s23+$0x0], $0xffff;
	_ =	sdelay $0x4  }
0x4c: {  	[tilespmem:$0xA20] =	vst v0  }
0x4d: {  	v0 =	vld.idx.msk [tilespmem:v4+s23+$0x0], $0xffff;
	_ =	sdelay $0x4  }
0x4e: {  	[tilespmem:$0xA30] =	vst v0  }
0x4f: {  	v0 =	vld.idx.msk [tilespmem:v5+s23+$0x0], $0xffff;
	_ =	sdelay $0x4  }
0x50: {  	[tilespmem:$0xA40] =	vst v0  }
0x51: {  	v0 =	vld.idx.msk [tilespmem:v6+s23+$0x0], $0xffff;
	_ =	sdelay $0x4  }
0x52: {  	[tilespmem:$0xA50] =	vst v0  }
0x53: {  	v0 =	vld.idx.msk [tilespmem:v7+s23+$0x0], $0xffff;
	_ =	sdelay $0x4  }
0x54: {  	[tilespmem:$0xA60] =	vst v0  }
0x55: {  	v0 =	vld.idx.msk [tilespmem:v8+s23+$0x0], $0xffff;
	_ =	sdelay $0x4  }
0x56: {  	s29 =	simm.s32 $0xA00;
	s5 =	sadd.s32 s5, s6;
	[tilespmem:$0xA70] =	vst v0  }
0x57: {  	[hbm4b:s5+s2] =	stream.linear.scatter [tilespmem:s29], [sflag:$0x3], $0x80, $0x38;
	[tilespmem:$0xB00] =	vst v63  }
0x58: {  	v0 =	vld.idx.msk [tilespmem:v9+s23+$0x0], $0xffff;
	_ =	sdelay $0x4  }
0x59: {  	[tilespmem:$0xA80] =	vst v0  }
0x5a: {  	v0 =	vld.idx.msk [tilespmem:v10+s23+$0x0], $0xffff;
	_ =	sdelay $0x4  }
0x5b: {  	[tilespmem:$0xA90] =	vst v0  }
0x5c: {  	v0 =	vld.idx.msk [tilespmem:v11+s23+$0x0], $0xffff;
	_ =	sdelay $0x4  }
0x5d: {  	[tilespmem:$0xAA0] =	vst v0  }
0x5e: {  	v0 =	vld.idx.msk [tilespmem:v12+s23+$0x0], $0xffff;
	_ =	sdelay $0x4  }
0x5f: {  	[tilespmem:$0xAB0] =	vst v0  }
0x60: {  	v0 =	vld.idx.msk [tilespmem:v13+s23+$0x0], $0xffff;
	_ =	sdelay $0x4  }
0x61: {  	[tilespmem:$0xAC0] =	vst v0  }
0x62: {  	v0 =	vld.idx.msk [tilespmem:v14+s23+$0x0], $0xffff;
	_ =	sdelay $0x4  }
0x63: {  	[tilespmem:$0xAD0] =	vst v0  }
0x64: {  	v0 =	vld.idx.msk [tilespmem:v15+s23+$0x0], $0xffff;
	_ =	sdelay $0x4  }
0x65: {  	[tilespmem:$0xAE0] =	vst v0  }
0x66: {  	v0 =	vld.idx.msk [tilespmem:v16+s23+$0x0], $0xffff;
	_ =	sdelay $0x4  }
0x67: {  	s31 =	simm.s32 $0xA80;
	s30 =	sadd.s32 $0x10, s5;
	[tilespmem:$0xAF0] =	vst v0  }
0x68: {  	[hbm4b:s30+s2] =	stream.linear.scatter [tilespmem:s31], [sflag:$0x3], $0x80, $0x38;
	[tilespmem:$0xB00] =	vst v63  }
0x69: {  	_ =	swait.ge [sflag:s25], $0x100  }
0x6a: {  	[sflag:s25] =	ssyncset.done $0x0  }
0x6b: {  	[sflag:s25] =	ssyncadd.s32 $0xFFFFFF00  }
0x6c: {  	_ =	swait.ge [sflag:s28], $0x80  }
0x6d: {  	[sflag:s28] =	ssyncset.done $0x0  }
0x6e: {  	[sflag:s28] =	ssyncadd.s32 $0xFFFFFF80  }
0x6f: {  	_ =	swait.ge [sflag:s28], $0x80  }
0x70: {  	[sflag:s28] =	ssyncset.done $0x0  }
0x71: {  	[sflag:s28] =	ssyncadd.s32 $0xFFFFFF80  }
0x72: {  	_ =	sfence.sel $0x180000  }
0x73: {  	[bflag:$0x0] =	sbarrier.arrive $0xFFFF  }
0x74: {  	p0 =	sne.s32 s1, $0x0;
	_ =	strace $0x90000047  }
0x75: {  	s0 =	sadd.s32 @!p0 $0x100000, s0;
	[bflag:$0x2] =	sbarrier.arrive $0xFFFF  }
0x76: {  	[sflag:s0] =	ssyncadd.tile.s32 @!p0 $0x1;
	_ =	shalt  }
.Lfunc_end2:
_tile_overlayer_lowered:
.L_overlay_start_2:
0x77: {  	(tag) =	ssettag $0x2  }
0x78: {  	s0 =	rddreg [dreg:$0x0];
	s2 =	stileid.u32  }
0x79: {  	s1 =	rddreg [dreg:$0x1];
	p0 =	sne.s32 s2, $0x0  }
0x7a: {  	s3 =	rddreg [dreg:$0x2];
	[bflag:$0x3] =	sbarrier.arrive $0xFFFF;
	s2 =	simm.s32 @!p0 $0x1C04  }
0x7b: {  	[timem:s3], [sflag:s2] =	dma.local @!p0 [hbm:s0], s1  }
0x7c: {  	s0 =	simm.s32 @!p0 $0x4  }
0x7d: {  	_ =	swait.ge @!p0 [sflag:s0], s1  }
0x7e: {  	s1 =	ssub.s32 @!p0 $0x0, s1;
	[sflag:s0] =	ssyncset.done @!p0 $0x0  }
0x7f: {  	[sflag:s0] =	ssyncadd.s32 @!p0 s1  }
0x80: {  	[bflag:$0x3] =	sbarrier.arrive $0xFFFF  }
0x81: {  	_ =	shalt  }

</sc_bundles>
